<compile_context>
chip_gen: v7x
topology: tpu7x:2x2x1
jax: 0.10.2.dev20260603
libtpu: 0.0.44.dev20260713+nightly
codegen_flags: <defaults>
</compile_context>

<pallas_src>
import functools

import jax
import jax.numpy as jnp
from jax import lax
from jax.experimental import pallas as pl
from jax.experimental.pallas import tpu as pltpu
from jax.experimental.pallas import tpu_sc as plsc

BATCH = 16384
EMB = 64
N_NUM = 8
N_ACT = 256
RATING_MIN = 1.0
RATING_MAX = 5.0

_info = plsc.get_sparse_core_info()
_NC, _NS = _info.num_cores, _info.num_subcores
_NW = _NC * _NS
_BPW = BATCH // _NW


def _sc_gather_body(t_hbm, idx_hbm, out_hbm, idx_v, rows_v, sem):
    wid = lax.axis_index("s") * _NC + lax.axis_index("c")
    base = wid * _BPW
    pltpu.sync_copy(idx_hbm.at[pl.ds(base, _BPW)], idx_v)
    pltpu.async_copy(t_hbm.at[idx_v], rows_v, sem).wait()
    pltpu.sync_copy(rows_v, out_hbm.at[pl.ds(base, _BPW)])


_sc_gather = functools.partial(
    pl.kernel,
    mesh=plsc.VectorSubcoreMesh(core_axis_name="c", subcore_axis_name="s"),
    compiler_params=pltpu.CompilerParams(use_tc_tiling_on_sc=False),
    out_type=jax.ShapeDtypeStruct((BATCH, EMB), jnp.float32),
    scratch_types=[
        pltpu.VMEM((_BPW,), jnp.int32),
        pltpu.VMEM((_BPW, EMB), jnp.float32),
        pltpu.SemaphoreType.DMA,
    ],
)(_sc_gather_body)


_BT = 1024


def _mlp_body(eu_ref, ei_ref, nf_ref, w1u_ref, w1i_ref, w1n_ref, b1_ref,
              w2_ref, b2_ref, out_ref):
    h = jnp.dot(eu_ref[...], w1u_ref[...], preferred_element_type=jnp.float32)
    h += jnp.dot(ei_ref[...], w1i_ref[...], preferred_element_type=jnp.float32)
    h += jnp.dot(nf_ref[...], w1n_ref[...], preferred_element_type=jnp.float32)
    h += b1_ref[...]
    h = jnp.maximum(h, 0.0)
    o = jnp.dot(h, w2_ref[...], preferred_element_type=jnp.float32)
    o += b2_ref[...]
    o = 1.0 / (1.0 + jnp.exp(-o))
    out_ref[...] = o * (RATING_MAX - RATING_MIN) + RATING_MIN


def _mlp(eu, ei, nf, w1u, w1i, w1n, b1, w2, b2):
    grid = (BATCH // 2 // _BT,)
    args = (eu, ei, nf, w1u, w1i, w1n, b1, w2, b2)
    bspec_b = lambda shape: pl.BlockSpec((_BT,) + shape[1:],
                                         lambda i: (i,) + (0,) * (len(shape) - 1))
    full = lambda shape: pl.BlockSpec(shape, lambda i: (0,) * len(shape))
    in_specs = [bspec_b(a.shape) for a in args[:3]]
    in_specs += [full(a.shape) for a in args[3:]]
    return pl.pallas_call(
        _mlp_body,
        grid=grid,
        in_specs=in_specs,
        out_specs=pl.BlockSpec((_BT, 2), lambda i: (i, 0)),
        out_shape=jax.ShapeDtypeStruct((BATCH // 2, 2), jnp.float32),
    )(*args)


def _blockdiag(w):
    z = jnp.zeros_like(w)
    return jnp.concatenate([jnp.concatenate([w, z], 1),
                            jnp.concatenate([z, w], 1)], 0)


def kernel(X, user_table, item_table, W1, b1, W2, b2):
    uidx = X[:, 0]
    iidx = X[:, 1]
    nf = X[:, 2:].astype(jnp.float32)
    eu = _sc_gather(user_table, uidx)
    ei = _sc_gather(item_table, iidx)
    eup = eu.reshape(BATCH // 2, 2 * EMB)
    eip = ei.reshape(BATCH // 2, 2 * EMB)
    nfp = nf.reshape(BATCH // 2, 2 * N_NUM)
    w1u = _blockdiag(W1[:EMB])
    w1i = _blockdiag(W1[EMB:2 * EMB])
    w1n = _blockdiag(W1[2 * EMB:])
    w2bd = _blockdiag(W2)
    b1p = jnp.concatenate([b1, b1]).reshape(1, 2 * N_ACT)
    o = _mlp(eup, eip, nfp, w1u, w1i, w1n, b1p, w2bd,
             b2.reshape(1, 1))
    return o.reshape(BATCH, 1)

# --- scband reference (transcript-rebuilt; emitter-appended) ---
"""Pipeline reference for scband-nnhybrid-filtering-48653389529571 (READ-ONLY COPY).

The authoritative reference and input builder live on the scoring server;
editing this copy changes nothing except your own understanding.
"""

import jax, jax.numpy as jnp
import numpy as np

N_USERS = 100000
N_ITEMS = 100000
EMB_U = 64
EMB_I = 64
N_NUM = 8
N_ACT = 256
BATCH = 16384
RATING_MIN = 1.0
RATING_MAX = 5.0


def setup_inputs(seed: int = 0) -> dict:
    key = jax.random.key(seed)
    ks = jax.random.split(key, 8)
    # X: first two columns are user/item indices, remaining 8 are 'numerical' features
    X = jax.random.randint(ks[0], (BATCH, 2 + N_NUM), 0, N_USERS)
    user_table = jax.random.normal(ks[1], (N_USERS, EMB_U), dtype=jnp.float32) * 0.1
    item_table = jax.random.normal(ks[2], (N_ITEMS, EMB_I), dtype=jnp.float32) * 0.1
    in_dim = EMB_U + EMB_I + N_NUM
    W1 = jax.random.normal(ks[3], (in_dim, N_ACT), dtype=jnp.float32) * (1.0 / np.sqrt(in_dim))
    b1 = jnp.zeros((N_ACT,), dtype=jnp.float32)
    W2 = jax.random.normal(ks[4], (N_ACT, 1), dtype=jnp.float32) * (1.0 / np.sqrt(N_ACT))
    b2 = jnp.zeros((1,), dtype=jnp.float32)
    return {"X": X, "user_table": user_table, "item_table": item_table,
            "W1": W1, "b1": b1, "W2": W2, "b2": b2}


def reference(X, user_table, item_table, W1, b1, W2, b2):
    embedded_users = jnp.take(user_table, X[:, 0], axis=0)
    embedded_items = jnp.take(item_table, X[:, 1], axis=0)
    numerical_features = X[:, 2:].astype(jnp.float32)
    embeddings = jnp.concatenate([embedded_users, embedded_items, numerical_features], axis=1)
    preds = embeddings @ W1 + b1
    preds = jax.nn.relu(preds)
    preds = preds @ W2 + b2
    preds = jax.nn.sigmoid(preds) * (RATING_MAX - RATING_MIN) + RATING_MIN
    return preds

if __name__ == "__main__":
    import jax
    _d = setup_inputs()
    print(jax.jit(kernel)(*tuple(_d.values())))

</pallas_src>

<mosaic_0001>
#map = affine_map<(d0, d1) -> (0, 0)>
#map1 = affine_map<(d0, d1) -> (0)>
module attributes {stable_mosaic.version = 14 : i64} {
  func.func @_sc_gather_body(%arg0: i32, %arg1: i32, %arg2: memref<100000x64xf32, #tpu.memory_space<hbm>>, %arg3: memref<16384xi32, #tpu.memory_space<hbm>>, %arg4: memref<16384x64xf32, #tpu.memory_space<hbm>>, %arg5: memref<512xi32, #tpu.memory_space<vmem>>, %arg6: memref<512x64xf32, #tpu.memory_space<vmem>>, %arg7: memref<!tpu.dma_semaphore, #tpu.memory_space<semaphore_mem>>) attributes {dimension_semantics = [#tpu.dimension_semantics<core_parallel>, #tpu.dimension_semantics<subcore_parallel>], iteration_bounds = array<i64: 2, 16>, scalar_prefetch = 0 : i64, scratch_operands = 3 : i64, tpu.core_type = #tpu.core_type<sc_vector_subcore>, window_params = [{transform_indices = #map}, {transform_indices = #map1}, {transform_indices = #map}]} {
    %mul3A = arith.constant 2 : i32
    %mul3A_0 = arith.muli %arg1, %mul3A : i32
    %add3A = arith.addi %mul3A_0, %arg0 : i32
    %mul3A_1 = arith.constant 512 : i32
    %mul3A_2 = arith.muli %add3A, %mul3A_1 : i32
    "tpu.region"() ({
      %run_scoped3A = tpu.sem_alloc : memref<!tpu.dma_semaphore, #tpu.memory_space<semaphore_mem>>
      %dma_start3A_7 = tpu.memref_slice %arg3[%mul3A_2] : memref<16384xi32, #tpu.memory_space<hbm>> -> memref<512xi32, #tpu.memory_space<hbm>>
      %dma_start3A_8 = tpu.memref_slice %arg3[%mul3A_2] : memref<16384xi32, #tpu.memory_space<hbm>> -> memref<512xi32, #tpu.memory_space<hbm>>
      tpu.enqueue_dma source(%dma_start3A_8 : memref<512xi32, #tpu.memory_space<hbm>>) target(%arg5 : memref<512xi32, #tpu.memory_space<vmem>>) target_semaphore(%run_scoped3A : memref<!tpu.dma_semaphore, #tpu.memory_space<semaphore_mem>>)
      %dma_wait3A_9 = tpu.memref_slice %arg3[%mul3A_2] : memref<16384xi32, #tpu.memory_space<hbm>> -> memref<512xi32, #tpu.memory_space<hbm>>
      %dma_wait3A_10 = tpu.memref_slice %arg3[%mul3A_2] : memref<16384xi32, #tpu.memory_space<hbm>> -> memref<512xi32, #tpu.memory_space<hbm>>
      tpu.wait_dma2 semaphore(%run_scoped3A : memref<!tpu.dma_semaphore, #tpu.memory_space<semaphore_mem>>) src(%dma_wait3A_10 : memref<512xi32, #tpu.memory_space<hbm>>) dst(%arg5 : memref<512xi32, #tpu.memory_space<vmem>>)
      tpu.yield
    }) : () -> ()
    %dma_start3A = arith.constant 0 : i32
    %dma_start3A_3 = arith.constant 0 : i32
    %dma_start3A_4 = tpu.memref_slice %arg2[%dma_start3A, %dma_start3A_3] : memref<100000x64xf32, #tpu.memory_space<hbm>> -> memref<100000x64xf32, #tpu.memory_space<hbm>>
    tpu.enqueue_indirect_dma source(%dma_start3A_4 : memref<100000x64xf32, #tpu.memory_space<hbm>>) target(%arg6 : memref<512x64xf32, #tpu.memory_space<vmem>>) offsets(%arg5 : memref<512xi32, #tpu.memory_space<vmem>>) semaphore(%arg7 : memref<!tpu.dma_semaphore, #tpu.memory_space<semaphore_mem>>)
    %dma_wait3A = arith.constant 0 : i32
    %dma_wait3A_5 = arith.constant 0 : i32
    %dma_wait3A_6 = tpu.memref_slice %arg2[%dma_wait3A, %dma_wait3A_5] : memref<100000x64xf32, #tpu.memory_space<hbm>> -> memref<100000x64xf32, #tpu.memory_space<hbm>>
    tpu.wait_indirect_dma semaphore(%arg7 : memref<!tpu.dma_semaphore, #tpu.memory_space<semaphore_mem>>) src(%dma_wait3A_6 : memref<100000x64xf32, #tpu.memory_space<hbm>>) dst(%arg6 : memref<512x64xf32, #tpu.memory_space<vmem>>)
    "tpu.region"() ({
      %run_scoped3A = tpu.sem_alloc : memref<!tpu.dma_semaphore, #tpu.memory_space<semaphore_mem>>
      %dma_start3A_7 = arith.constant 0 : i32
      %dma_start3A_8 = tpu.memref_slice %arg4[%mul3A_2, %dma_start3A_7] : memref<16384x64xf32, #tpu.memory_space<hbm>> -> memref<512x64xf32, #tpu.memory_space<hbm>>
      %dma_start3A_9 = arith.constant 0 : i32
      %dma_start3A_10 = tpu.memref_slice %arg4[%mul3A_2, %dma_start3A_9] : memref<16384x64xf32, #tpu.memory_space<hbm>> -> memref<512x64xf32, #tpu.memory_space<hbm>>
      tpu.enqueue_dma source(%arg6 : memref<512x64xf32, #tpu.memory_space<vmem>>) target(%dma_start3A_10 : memref<512x64xf32, #tpu.memory_space<hbm>>) target_semaphore(%run_scoped3A : memref<!tpu.dma_semaphore, #tpu.memory_space<semaphore_mem>>)
      %dma_wait3A_11 = arith.constant 0 : i32
      %dma_wait3A_12 = tpu.memref_slice %arg4[%mul3A_2, %dma_wait3A_11] : memref<16384x64xf32, #tpu.memory_space<hbm>> -> memref<512x64xf32, #tpu.memory_space<hbm>>
      %dma_wait3A_13 = arith.constant 0 : i32
      %dma_wait3A_14 = tpu.memref_slice %arg4[%mul3A_2, %dma_wait3A_13] : memref<16384x64xf32, #tpu.memory_space<hbm>> -> memref<512x64xf32, #tpu.memory_space<hbm>>
      tpu.wait_dma2 semaphore(%run_scoped3A : memref<!tpu.dma_semaphore, #tpu.memory_space<semaphore_mem>>) src(%arg6 : memref<512x64xf32, #tpu.memory_space<vmem>>) dst(%dma_wait3A_14 : memref<512x64xf32, #tpu.memory_space<hbm>>)
      tpu.yield
    }) : () -> ()
    return
  }
}

#map = affine_map<(d0, d1) -> (0, 0)>
#map1 = affine_map<(d0, d1) -> (0)>
module attributes {stable_mosaic.version = 14 : i64} {
  func.func @_sc_gather_body(%arg0: i32, %arg1: i32, %arg2: memref<100000x64xf32, #tpu.memory_space<hbm>>, %arg3: memref<16384xi32, #tpu.memory_space<hbm>>, %arg4: memref<16384x64xf32, #tpu.memory_space<hbm>>, %arg5: memref<512xi32, #tpu.memory_space<vmem>>, %arg6: memref<512x64xf32, #tpu.memory_space<vmem>>, %arg7: memref<!tpu.dma_semaphore, #tpu.memory_space<semaphore_mem>>) attributes {dimension_semantics = [#tpu.dimension_semantics<core_parallel>, #tpu.dimension_semantics<subcore_parallel>], iteration_bounds = array<i64: 2, 16>, scalar_prefetch = 0 : i64, scratch_operands = 3 : i64, tpu.core_type = #tpu.core_type<sc_vector_subcore>, window_params = [{transform_indices = #map}, {transform_indices = #map1}, {transform_indices = #map}]} {
    %mul3A = arith.constant 2 : i32
    %mul3A_0 = arith.muli %arg1, %mul3A : i32
    %add3A = arith.addi %mul3A_0, %arg0 : i32
    %mul3A_1 = arith.constant 512 : i32
    %mul3A_2 = arith.muli %add3A, %mul3A_1 : i32
    "tpu.region"() ({
      %run_scoped3A = tpu.sem_alloc : memref<!tpu.dma_semaphore, #tpu.memory_space<semaphore_mem>>
      %dma_start3A_7 = tpu.memref_slice %arg3[%mul3A_2] : memref<16384xi32, #tpu.memory_space<hbm>> -> memref<512xi32, #tpu.memory_space<hbm>>
      %dma_start3A_8 = tpu.memref_slice %arg3[%mul3A_2] : memref<16384xi32, #tpu.memory_space<hbm>> -> memref<512xi32, #tpu.memory_space<hbm>>
      tpu.enqueue_dma source(%dma_start3A_8 : memref<512xi32, #tpu.memory_space<hbm>>) target(%arg5 : memref<512xi32, #tpu.memory_space<vmem>>) target_semaphore(%run_scoped3A : memref<!tpu.dma_semaphore, #tpu.memory_space<semaphore_mem>>)
      %dma_wait3A_9 = tpu.memref_slice %arg3[%mul3A_2] : memref<16384xi32, #tpu.memory_space<hbm>> -> memref<512xi32, #tpu.memory_space<hbm>>
      %dma_wait3A_10 = tpu.memref_slice %arg3[%mul3A_2] : memref<16384xi32, #tpu.memory_space<hbm>> -> memref<512xi32, #tpu.memory_space<hbm>>
      tpu.wait_dma2 semaphore(%run_scoped3A : memref<!tpu.dma_semaphore, #tpu.memory_space<semaphore_mem>>) src(%dma_wait3A_10 : memref<512xi32, #tpu.memory_space<hbm>>) dst(%arg5 : memref<512xi32, #tpu.memory_space<vmem>>)
      tpu.yield
    }) : () -> ()
    %dma_start3A = arith.constant 0 : i32
    %dma_start3A_3 = arith.constant 0 : i32
    %dma_start3A_4 = tpu.memref_slice %arg2[%dma_start3A, %dma_start3A_3] : memref<100000x64xf32, #tpu.memory_space<hbm>> -> memref<100000x64xf32, #tpu.memory_space<hbm>>
    tpu.enqueue_indirect_dma source(%dma_start3A_4 : memref<100000x64xf32, #tpu.memory_space<hbm>>) target(%arg6 : memref<512x64xf32, #tpu.memory_space<vmem>>) offsets(%arg5 : memref<512xi32, #tpu.memory_space<vmem>>) semaphore(%arg7 : memref<!tpu.dma_semaphore, #tpu.memory_space<semaphore_mem>>)
    %dma_wait3A = arith.constant 0 : i32
    %dma_wait3A_5 = arith.constant 0 : i32
    %dma_wait3A_6 = tpu.memref_slice %arg2[%dma_wait3A, %dma_wait3A_5] : memref<100000x64xf32, #tpu.memory_space<hbm>> -> memref<100000x64xf32, #tpu.memory_space<hbm>>
    tpu.wait_indirect_dma semaphore(%arg7 : memref<!tpu.dma_semaphore, #tpu.memory_space<semaphore_mem>>) src(%dma_wait3A_6 : memref<100000x64xf32, #tpu.memory_space<hbm>>) dst(%arg6 : memref<512x64xf32, #tpu.memory_space<vmem>>)
    "tpu.region"() ({
      %run_scoped3A = tpu.sem_alloc : memref<!tpu.dma_semaphore, #tpu.memory_space<semaphore_mem>>
      %dma_start3A_7 = arith.constant 0 : i32
      %dma_start3A_8 = tpu.memref_slice %arg4[%mul3A_2, %dma_start3A_7] : memref<16384x64xf32, #tpu.memory_space<hbm>> -> memref<512x64xf32, #tpu.memory_space<hbm>>
      %dma_start3A_9 = arith.constant 0 : i32
      %dma_start3A_10 = tpu.memref_slice %arg4[%mul3A_2, %dma_start3A_9] : memref<16384x64xf32, #tpu.memory_space<hbm>> -> memref<512x64xf32, #tpu.memory_space<hbm>>
      tpu.enqueue_dma source(%arg6 : memref<512x64xf32, #tpu.memory_space<vmem>>) target(%dma_start3A_10 : memref<512x64xf32, #tpu.memory_space<hbm>>) target_semaphore(%run_scoped3A : memref<!tpu.dma_semaphore, #tpu.memory_space<semaphore_mem>>)
      %dma_wait3A_11 = arith.constant 0 : i32
      %dma_wait3A_12 = tpu.memref_slice %arg4[%mul3A_2, %dma_wait3A_11] : memref<16384x64xf32, #tpu.memory_space<hbm>> -> memref<512x64xf32, #tpu.memory_space<hbm>>
      %dma_wait3A_13 = arith.constant 0 : i32
      %dma_wait3A_14 = tpu.memref_slice %arg4[%mul3A_2, %dma_wait3A_13] : memref<16384x64xf32, #tpu.memory_space<hbm>> -> memref<512x64xf32, #tpu.memory_space<hbm>>
      tpu.wait_dma2 semaphore(%run_scoped3A : memref<!tpu.dma_semaphore, #tpu.memory_space<semaphore_mem>>) src(%arg6 : memref<512x64xf32, #tpu.memory_space<vmem>>) dst(%dma_wait3A_14 : memref<512x64xf32, #tpu.memory_space<hbm>>)
      tpu.yield
    }) : () -> ()
    return
  }
}

module attributes {stable_mosaic.version = 14 : i64} {
  func.func @_mlp_body(%arg0: i32, %arg1: memref<1024x128xf32, #tpu.memory_space<vmem>>, %arg2: memref<1024x128xf32, #tpu.memory_space<vmem>>, %arg3: memref<1024x16xf32, #tpu.memory_space<vmem>>, %arg4: memref<128x512xf32, #tpu.memory_space<vmem>>, %arg5: memref<128x512xf32, #tpu.memory_space<vmem>>, %arg6: memref<16x512xf32, #tpu.memory_space<vmem>>, %arg7: memref<1x512xf32, #tpu.memory_space<vmem>>, %arg8: memref<512x2xf32, #tpu.memory_space<vmem>>, %arg9: memref<1x1xf32, #tpu.memory_space<vmem>>, %arg10: memref<1024x2xf32, #tpu.memory_space<vmem>>) attributes {dimension_semantics = [#tpu.dimension_semantics<arbitrary>], iteration_bounds = array<i64: 8>, scalar_prefetch = 0 : i64, scratch_operands = 0 : i64, tpu.core_type = #tpu.core_type<tc>, window_params = [{transform_indices = @transform_0, window_bounds = array<i64: 1024, 128>}, {transform_indices = @transform_1, window_bounds = array<i64: 1024, 128>}, {transform_indices = @transform_2, window_bounds = array<i64: 1024, 16>}, {pipeline_mode = #tpu.pipeline_mode<synchronous>, transform_indices = @transform_3, window_bounds = array<i64: 128, 512>}, {pipeline_mode = #tpu.pipeline_mode<synchronous>, transform_indices = @transform_4, window_bounds = array<i64: 128, 512>}, {pipeline_mode = #tpu.pipeline_mode<synchronous>, transform_indices = @transform_5, window_bounds = array<i64: 16, 512>}, {pipeline_mode = #tpu.pipeline_mode<synchronous>, transform_indices = @transform_6, window_bounds = array<i64: 1, 512>}, {pipeline_mode = #tpu.pipeline_mode<synchronous>, transform_indices = @transform_7, window_bounds = array<i64: 512, 2>}, {pipeline_mode = #tpu.pipeline_mode<synchronous>, transform_indices = @transform_8, window_bounds = array<i64: 1, 1>}, {transform_indices = @transform_9, window_bounds = array<i64: 1024, 2>}]} {
    %get3A = arith.constant 0 : index
    %get3A_0 = arith.constant 0 : index
    %get3A_1 = vector.load %arg1[%get3A, %get3A_0] : memref<1024x128xf32, #tpu.memory_space<vmem>>, vector<1024x128xf32>
    %get3A_2 = arith.constant 0 : index
    %get3A_3 = arith.constant 0 : index
    %get3A_4 = vector.load %arg4[%get3A_2, %get3A_3] : memref<128x512xf32, #tpu.memory_space<vmem>>, vector<128x512xf32>
    %dot_general3A = arith.constant dense<0.000000e+00> : vector<1024x512xf32>
    %dot_general3A_5 = tpu.matmul %get3A_1, %get3A_4, %dot_general3A {dimension_numbers = #tpu.dot_dimension_numbers<[1], [0], [0], [1], [0, 0, 1, 1], [], []>, transpose_lhs_hint = false} : vector<1024x128xf32>, vector<128x512xf32>, vector<1024x512xf32> -> vector<1024x512xf32>
    %get3A_6 = arith.constant 0 : index
    %get3A_7 = arith.constant 0 : index
    %get3A_8 = vector.load %arg2[%get3A_6, %get3A_7] : memref<1024x128xf32, #tpu.memory_space<vmem>>, vector<1024x128xf32>
    %get3A_9 = arith.constant 0 : index
    %get3A_10 = arith.constant 0 : index
    %get3A_11 = vector.load %arg5[%get3A_9, %get3A_10] : memref<128x512xf32, #tpu.memory_space<vmem>>, vector<128x512xf32>
    %dot_general3A_12 = arith.constant dense<0.000000e+00> : vector<1024x512xf32>
    %dot_general3A_13 = tpu.matmul %get3A_8, %get3A_11, %dot_general3A_12 {dimension_numbers = #tpu.dot_dimension_numbers<[1], [0], [0], [1], [0, 0, 1, 1], [], []>, transpose_lhs_hint = false} : vector<1024x128xf32>, vector<128x512xf32>, vector<1024x512xf32> -> vector<1024x512xf32>
    %add3A = arith.addf %dot_general3A_5, %dot_general3A_13 : vector<1024x512xf32>
    %get3A_14 = arith.constant 0 : index
    %get3A_15 = arith.constant 0 : index
    %get3A_16 = vector.load %arg3[%get3A_14, %get3A_15] : memref<1024x16xf32, #tpu.memory_space<vmem>>, vector<1024x16xf32>
    %get3A_17 = arith.constant 0 : index
    %get3A_18 = arith.constant 0 : index
    %get3A_19 = vector.load %arg6[%get3A_17, %get3A_18] : memref<16x512xf32, #tpu.memory_space<vmem>>, vector<16x512xf32>
    %dot_general3A_20 = arith.constant dense<0.000000e+00> : vector<1024x512xf32>
    %dot_general3A_21 = tpu.matmul %get3A_16, %get3A_19, %dot_general3A_20 {dimension_numbers = #tpu.dot_dimension_numbers<[1], [0], [0], [1], [0, 0, 1, 1], [], []>, transpose_lhs_hint = false} : vector<1024x16xf32>, vector<16x512xf32>, vector<1024x512xf32> -> vector<1024x512xf32>
    %add3A_22 = arith.addf %add3A, %dot_general3A_21 : vector<1024x512xf32>
    %get3A_23 = arith.constant 0 : index
    %get3A_24 = arith.constant 0 : index
    %get3A_25 = vector.load %arg7[%get3A_23, %get3A_24] : memref<1x512xf32, #tpu.memory_space<vmem>>, vector<1x512xf32>
    %add3A_26 = vector.broadcast %get3A_25 : vector<1x512xf32> to vector<1024x512xf32>
    %add3A_27 = arith.addf %add3A_22, %add3A_26 : vector<1024x512xf32>
    %max3A = arith.constant 0.000000e+00 : f32
    %max3A_28 = vector.broadcast %max3A : f32 to vector<1024x512xf32>
    %max3A_29 = arith.maximumf %add3A_27, %max3A_28 : vector<1024x512xf32>
    %get3A_30 = arith.constant 0 : index
    %get3A_31 = arith.constant 0 : index
    %get3A_32 = vector.load %arg8[%get3A_30, %get3A_31] : memref<512x2xf32, #tpu.memory_space<vmem>>, vector<512x2xf32>
    %dot_general3A_33 = arith.constant dense<0.000000e+00> : vector<1024x2xf32>
    %dot_general3A_34 = tpu.matmul %max3A_29, %get3A_32, %dot_general3A_33 {dimension_numbers = #tpu.dot_dimension_numbers<[1], [0], [0], [1], [0, 0, 1, 1], [], []>, transpose_lhs_hint = false} : vector<1024x512xf32>, vector<512x2xf32>, vector<1024x2xf32> -> vector<1024x2xf32>
    %get3A_35 = arith.constant 0 : index
    %get3A_36 = arith.constant 0 : index
    %get3A_37 = vector.load %arg9[%get3A_35, %get3A_36] : memref<1x1xf32, #tpu.memory_space<vmem>>, vector<1x1xf32>
    %add3A_38 = vector.broadcast %get3A_37 : vector<1x1xf32> to vector<1024x2xf32>
    %add3A_39 = arith.addf %dot_general3A_34, %add3A_38 : vector<1024x2xf32>
    %neg3A = arith.constant 0.000000e+00 : f32
    %neg3A_40 = vector.broadcast %neg3A : f32 to vector<1024x2xf32>
    %neg3A_41 = arith.subf %neg3A_40, %add3A_39 : vector<1024x2xf32>
    %exp3A = math.exp %neg3A_41 : vector<1024x2xf32>
    %add3A_42 = arith.constant 1.000000e+00 : f32
    %add3A_43 = vector.broadcast %add3A_42 : f32 to vector<1024x2xf32>
    %add3A_44 = arith.addf %add3A_43, %exp3A : vector<1024x2xf32>
    %div3A = arith.constant 1.000000e+00 : f32
    %div3A_45 = vector.broadcast %div3A : f32 to vector<1024x2xf32>
    %div3A_46 = arith.divf %div3A_45, %add3A_44 : vector<1024x2xf32>
    %mul3A = arith.constant 4.000000e+00 : f32
    %mul3A_47 = vector.broadcast %mul3A : f32 to vector<1024x2xf32>
    %mul3A_48 = arith.mulf %div3A_46, %mul3A_47 : vector<1024x2xf32>
    %add3A_49 = arith.constant 1.000000e+00 : f32
    %add3A_50 = vector.broadcast %add3A_49 : f32 to vector<1024x2xf32>
    %add3A_51 = arith.addf %mul3A_48, %add3A_50 : vector<1024x2xf32>
    %swap3A = arith.constant 0 : index
    %swap3A_52 = arith.constant 0 : index
    %swap3A_53 = vector.load %arg10[%swap3A, %swap3A_52] : memref<1024x2xf32, #tpu.memory_space<vmem>>, vector<1024x2xf32>
    tpu.vector_store %arg10[%swap3A, %swap3A_52], %add3A_51 {strides = array<i32>} : memref<1024x2xf32, #tpu.memory_space<vmem>>, vector<1024x2xf32>,
    return
  }
  func.func @transform_0(%arg0: i32) -> (i32, i32) {
    %c0_i32 = arith.constant 0 : i32
    %c0_i32_0 = arith.constant 0 : i32
    return %arg0, %c0_i32 : i32, i32
  }
  func.func @transform_1(%arg0: i32) -> (i32, i32) {
    %c0_i32 = arith.constant 0 : i32
    %c0_i32_0 = arith.constant 0 : i32
    return %arg0, %c0_i32 : i32, i32
  }
  func.func @transform_2(%arg0: i32) -> (i32, i32) {
    %c0_i32 = arith.constant 0 : i32
    %c0_i32_0 = arith.constant 0 : i32
    return %arg0, %c0_i32 : i32, i32
  }
  func.func @transform_3(%arg0: i32) -> (i32, i32) {
    %c0_i32 = arith.constant 0 : i32
    %c0_i32_0 = arith.constant 0 : i32
    %c0_i32_1 = arith.constant 0 : i32
    return %c0_i32, %c0_i32_0 : i32, i32
  }
  func.func @transform_4(%arg0: i32) -> (i32, i32) {
    %c0_i32 = arith.constant 0 : i32
    %c0_i32_0 = arith.constant 0 : i32
    %c0_i32_1 = arith.constant 0 : i32
    return %c0_i32, %c0_i32_0 : i32, i32
  }
  func.func @transform_5(%arg0: i32) -> (i32, i32) {
    %c0_i32 = arith.constant 0 : i32
    %c0_i32_0 = arith.constant 0 : i32
    %c0_i32_1 = arith.constant 0 : i32
    return %c0_i32, %c0_i32_0 : i32, i32
  }
  func.func @transform_6(%arg0: i32) -> (i32, i32) {
    %c0_i32 = arith.constant 0 : i32
    %c0_i32_0 = arith.constant 0 : i32
    %c0_i32_1 = arith.constant 0 : i32
    return %c0_i32, %c0_i32_0 : i32, i32
  }
  func.func @transform_7(%arg0: i32) -> (i32, i32) {
    %c0_i32 = arith.constant 0 : i32
    %c0_i32_0 = arith.constant 0 : i32
    %c0_i32_1 = arith.constant 0 : i32
    return %c0_i32, %c0_i32_0 : i32, i32
  }
  func.func @transform_8(%arg0: i32) -> (i32, i32) {
    %c0_i32 = arith.constant 0 : i32
    %c0_i32_0 = arith.constant 0 : i32
    %c0_i32_1 = arith.constant 0 : i32
    return %c0_i32, %c0_i32_0 : i32, i32
  }
  func.func @transform_9(%arg0: i32) -> (i32, i32) {
    %c0_i32 = arith.constant 0 : i32
    %c0_i32_0 = arith.constant 0 : i32
    return %arg0, %c0_i32 : i32, i32
  }
}

</mosaic_0001>

<sc_bundles>
// kernel: kernel.5.cloned.1.call-start
scs
__scs_entry_jumppad:
0x0: {  	(pc) =	sbr.rel $0x88, $3  }
0x1: {  	(tag) =	ssettag $0x0;
	lr =	simm.s32 $0x1  }
0x2: {  	[smem:$0x3F9A] =	sst lr;
	_ =	strace $0xD0000000  }
0x3: {  	_ = 	snop  }
0x4: {  	_ = 	snop  }
0x5: {  	_ = 	snop  }
0x6: {  	_ = 	snop  }
0x7: {  	_ = 	snop  }
__scs_overlays_trampoline_lowered:
0x8: {  	[smem:$0x3FA9] =	sst s0  }
0x9: {  	[smem:$0x3FAA] =	sst s1  }
0xa: {  	[smem:$0x3FAB] =	sst s2  }
0xb: {  	[smem:$0x3FAC] =	sst s3  }
0xc: {  	[smem:$0x3FAD] =	sst s4  }
0xd: {  	[smem:$0x3FAE] =	sst s5  }
0xe: {  	[smem:$0x3FAF] =	sst s6  }
0xf: {  	[smem:$0x3FB0] =	sst s7  }
0x10: {  	[smem:$0x3FB1] =	sst s8  }
0x11: {  	[smem:$0x3FB2] =	sst s9;
	s0 =	simm.s32 @!p0 $0x0  }
0x12: {  	s1 =	sld [smem:$0x3F98];
	s0 =	simm.s32 @p0 $0x1  }
0x13: {  	[smem:$0x3FB3] =	sst s0;
	s0 =	simm.s32 @!p1 $0x0  }
0x14: {  	s2 =	sld [smem:$0x3F97];
	s0 =	simm.s32 @p1 $0x1  }
0x15: {  	[smem:$0x3FB4] =	sst s0;
	s0 =	simm.s32 @!p2 $0x0  }
0x16: {  	s3 =	sld [smem:$0x3FDB];
	s0 =	simm.s32 @p2 $0x1  }
0x17: {  	s4 =	simm.s32 $0x1BF5;
	[smem:$0x3FB6] =	sst s0  }
0x18: {  	s0 =	sld [smem:$0x3F99];
	_ =	swait.ge [sflag:s4], $0x0  }
0x19: {  	s7 =	sld [smem:$0x3F9A]  }
0x1a: {  	s8 =	sadd.s32 $0xFFFFE003, lr  }
0x1b: {  	s9 =	sadd.s32 $0xFFFFFEF7, lr;
	s5 =	simm.s32 $0xFFFFFFFF;
	p2 =	slt.u32 s8, $0xFFFFF086  }
0x1c: {  	p1 =	slt.u32 s9, $0xF7A;
	s5 =	simm.s32 @!p2 $0x0  }
0x1d: {  	s5 =	simm.s32 @p1 $0x1;
	p0 =	seq.s32 s7, s2  }
0x1e: {  	s7 =	smul.u32 @!p0 $0xF7A, s2;
	p2 =	seq.s32 @!p0 s5, $0x0  }
0x1f: {  	s9 =	smul.u32 $0xF7A, s1;
	s8 =	simm.s32 @!p0 $0x1BF5;
	p2 =	por !p2, p0  }
0x20: {  	[sflag:s8] =	ssyncset.s32 @!p0 $0xFFFFF086;
	s6 =	sadd.s32 @!p0 s3, s7;
	s7 =	simm.s32 @!p0 $0x108  }
0x21: {  	s3 =	sadd.s32 s3, s9;
	s6 =	sadd.s32 @!p0 $0x88, s6;
	s7 =	simm.s32 @p2 $0x1082  }
0x22: {  	[simem:s7], [sflag:s8] =	dma.local @!p0 [hbm:s6], $0xF7A  }
0x23: {  	s9 =	sor.u32 $0xD0000000, s2;
	s6 =	simm.s32 $0x108;
	_ =	swait.ge @!p0 [sflag:s8], $0x0  }
0x24: {  	s3 =	sadd.s32 $0x88, s3;
	s6 =	simm.s32 @!p1 $0x1082;
	[sflag:s4] =	ssyncset.s32 $0xFFFFF086  }
0x25: {  	[simem:s6], [sflag:s4] =	dma.local [hbm:s3], $0xF7A  }
0x26: {  	[smem:$0x3F9A] =	sst s1;
	(tag) =	ssettag s2;
	_ =	strace s9  }
0x27: {  	s1 =	sld [smem:$0x3FAA]  }
0x28: {  	s2 =	sld [smem:$0x3FAB]  }
0x29: {  	s4 =	sld [smem:$0x3FAD]  }
0x2a: {  	p0 =	seq.s32 s5, $0x0;
	s5 =	sld [smem:$0x3FAE]  }
0x2b: {  	s6 =	sld [smem:$0x3FAF]  }
0x2c: {  	s7 =	sld [smem:$0x3FB0]  }
0x2d: {  	s3 =	simm.s32 $0x108;
	s8 =	sld [smem:$0x3FB1]  }
0x2e: {  	s3 =	simm.s32 @!p0 $0x1082;
	s9 =	sld [smem:$0x3FB2]  }
0x2f: {  	lr =	sadd.s32 s0, s3;
	s0 =	sld [smem:$0x3FA9]  }
0x30: {  	s3 =	sld [smem:$0x3FAC]  }
0x31: {  	[smem:$0x3FB5] =	sst s10  }
0x32: {  	s10 =	sld [smem:$0x3FB3];
	_ =	sdelay $0x3  }
0x33: {  	p0 =	seq.s32 s10, $0x1;
	s10 =	sld [smem:$0x3FB5];
	_ =	sdelay $0x3  }
0x34: {  	[smem:$0x3FB5] =	sst s10  }
0x35: {  	s10 =	sld [smem:$0x3FB4];
	_ =	sdelay $0x3  }
0x36: {  	p1 =	seq.s32 s10, $0x1;
	s10 =	sld [smem:$0x3FB5];
	_ =	sdelay $0x3  }
0x37: {  	[smem:$0x3FB5] =	sst s10  }
0x38: {  	s10 =	sld [smem:$0x3FB6]  }
0x39: {  	_ = 	snop;
	(pc) =	sbr.ind lr, $3  }
0x3a: {  	_ = 	snop  }
0x3b: {  	_ = 	snop  }
0x3c: {  	p2 =	seq.s32 s10, $0x1;
	s10 =	sld [smem:$0x3FB5]  }
0x3d: {  	_ =	shalt  }
0x3e: {  	_ =	shalt  }
0x3f: {  	_ =	shalt  }
0x40: {  	_ =	shalt  }
0x41: {  	_ =	shalt  }
0x42: {  	_ =	shalt  }
0x43: {  	_ =	shalt  }
0x44: {  	_ =	shalt  }
0x45: {  	_ =	shalt  }
0x46: {  	_ =	shalt  }
0x47: {  	_ =	shalt  }
0x48: {  	_ =	shalt  }
0x49: {  	_ =	shalt  }
0x4a: {  	_ =	shalt  }
0x4b: {  	_ =	shalt  }
0x4c: {  	_ =	shalt  }
0x4d: {  	_ =	shalt  }
0x4e: {  	_ =	shalt  }
0x4f: {  	_ =	shalt  }
0x50: {  	_ =	shalt  }
0x51: {  	_ =	shalt  }
0x52: {  	_ =	shalt  }
0x53: {  	_ =	shalt  }
0x54: {  	_ =	shalt  }
0x55: {  	_ =	shalt  }
0x56: {  	_ =	shalt  }
0x57: {  	_ =	shalt  }
0x58: {  	_ =	shalt  }
0x59: {  	_ =	shalt  }
0x5a: {  	_ =	shalt  }
0x5b: {  	_ =	shalt  }
0x5c: {  	_ =	shalt  }
0x5d: {  	_ =	shalt  }
0x5e: {  	_ =	shalt  }
0x5f: {  	_ =	shalt  }
0x60: {  	_ =	shalt  }
0x61: {  	_ =	shalt  }
0x62: {  	_ =	shalt  }
0x63: {  	_ =	shalt  }
0x64: {  	_ =	shalt  }
0x65: {  	_ =	shalt  }
0x66: {  	_ =	shalt  }
0x67: {  	_ =	shalt  }
0x68: {  	_ =	shalt  }
0x69: {  	_ =	shalt  }
0x6a: {  	_ =	shalt  }
0x6b: {  	_ =	shalt  }
0x6c: {  	_ =	shalt  }
0x6d: {  	_ =	shalt  }
0x6e: {  	_ =	shalt  }
0x6f: {  	_ =	shalt  }
0x70: {  	_ =	shalt  }
0x71: {  	_ =	shalt  }
0x72: {  	_ =	shalt  }
0x73: {  	_ =	shalt  }
0x74: {  	_ =	shalt  }
0x75: {  	_ =	shalt  }
0x76: {  	_ =	shalt  }
0x77: {  	_ =	shalt  }
0x78: {  	_ =	shalt  }
0x79: {  	_ =	shalt  }
0x7a: {  	_ =	shalt  }
0x7b: {  	_ =	shalt  }
0x7c: {  	_ =	shalt  }
0x7d: {  	_ =	shalt  }
0x7e: {  	_ =	shalt  }
0x7f: {  	_ =	shalt  }
0x80: {  	_ =	shalt  }
0x81: {  	_ =	shalt  }
0x82: {  	_ =	shalt  }
0x83: {  	_ =	shalt  }
0x84: {  	_ =	shalt  }
0x85: {  	_ =	shalt  }
0x86: {  	_ =	shalt  }
0x87: {  	_ =	shalt  }
.Lfunc_end0:
.L_simem_size_0:
called_computation_lowered:
.L_overlay_start_0:
0x88: {  	s2 =	sld [smem:$0x3FD9]  }
0x89: {  	s3 =	sld [smem:$0x3FFE];
	_ =	sdelay $0x1  }
0x8a: {  	s1 =	srdreg.scid  }
0x8b: {  	s0 =	sand.u32 $0x1, s1  }
0x8c: {  	s16 =	sshll.u32 s0, $0xA;
	s2 =	sadd.s32 s3, s2  }
0x8d: {  	s2 =	sadd.s32 s2, s16  }
0x8e: {  	[smem:$0x3FC1] =	sst s2  }
0x8f: {  	_ = 	snop  }
0x90: {  	(tm) =	ssettm $0x1  }
0x91: {  	s17 =	sld [smem:$0x3FFB];
	_ =	sdelay $0x3  }
0x92: {  	_ =	strace s17  }
0x93: {  	s2 =	sld [smem:$0x3FFC];
	_ =	sdelay $0x3  }
0x94: {  	_ =	strace s2  }
0x95: {  	s2 =	sld [smem:$0x3FFD];
	_ =	sdelay $0x3  }
0x96: {  	_ =	strace s2  }
0x97: {  	_ =	strace $0x8FFFFFFF  }
0x98: {  	s18 =	sld [smem:$0x3FDB];
	_ =	sdelay $0x1  }
0x99: {  	s19 =	simm.s32 $_scs_section_size  }
0x9a: {  	s4 =	simm.s32 $_size__tile_overlayer_lowered;
	s5 =	simm.s32 $_tile_overlayer_lowered  }
0x9b: {  	s22 =	simm.s32 $0x1BFF;
	s21 =	sshll.u32 s5, $0x1;
	s2 =	sadd.s32 s19, s18  }
0x9c: {  	s6 =	simm.s32 $0x0;
	s20 =	sshll.u32 s4, $0x1;
	s4 =	sadd.s32 s21, s2  }
0x9d: {  	[timem:s6], [sflag:s22] =	dma.local [hbm:s4], s20  }
0x9e: {  	_ =	swait.ge [sflag:s22], s20  }
0x9f: {  	s3 =	ssub.s32 $0x0, s20;
	[sflag:s22] =	ssyncset.done $0x0  }
0xa0: {  	[sflag:s22] =	ssyncadd.s32 s3;
	_ =	sdelay $0x1  }
0xa1: {  	s23 =	simm.s32 $0x1B8B  }
0xa2: {  	_ =	swait.ge [sflag:s23], $0x1  }
0xa3: {  	[sflag:s23] =	ssyncset.done $0x0  }
0xa4: {  	s25 =	simm.s32 $0x1B8E;
	s24 =	sld [smem:$0x3FFE];
	[sflag:s23] =	ssyncadd.s32 $0xFFFFFFFF  }
0xa5: {  	s26 =	simm.s32 $execute0_lowered;
	[smem:$0x3FD2] =	sst s25  }
0xa6: {  	s4 =	sshll.u32 s26, $0x1;
	_ =	strace $0x80000046;
	[dreg:$0x1] =	wrdreg $0xFFFFFFFF  }
0xa7: {  	s28 =	simm.s32 $_size_execute0_lowered;
	s2 =	sadd.s32 s2, s4;
	[dreg:$0x0] =	wrdreg $0x0  }
0xa8: {  	s4 =	sshll.u32 s28, $0x1;
	[dreg:$0x2] =	wrdreg s2  }
0xa9: {  	[dreg:$0x3] =	wrdreg s4  }
0xaa: {  	[dreg:$0x4] =	wrdreg $0xC0  }
0xab: {  	_ =	task [dreg:s6], $0x5FFFF  }
0xac: {  	[dreg:$0x1] =	wrdreg $0xFFFFFFFF  }
0xad: {  	[dreg:$0x0] =	wrdreg $0x60  }
0xae: {  	[dreg:$0x2] =	wrdreg s24  }
0xaf: {  	[dreg:$0x3] =	wrdreg $0x9  }
0xb0: {  	_ =	task.clear_ibuf [dreg:s6], $0x4FFFF;
	_ =	strace $0x90000046  }
0xb1: {  	s29 =	simm.s32 $0x9;
	_ =	strace $0x80000048  }
0xb2: {  	_ =	swait.ge [sflag:s29], $0x1  }
0xb3: {  	[sflag:s29] =	ssyncadd.s32 $0xFFFFFFFF  }
0xb4: {  	_ =	strace $0x90000048  }
0xb5: {  	_ =	sfence  }
0xb6: {  	s30 =	sld [smem:$0x0];
	_ =	sdelay $0x2  }
0xb7: {  	s31 =	sshll.u32 s1, $0xD;
	s1 =	sshrl.u32 s1, $0x2  }
0xb8: {  	s3 =	sand.u32 $0x4000, s31;
	s1 =	sadd.s32 s1, s30  }
0xb9: {  	s0 =	sor.u32 s3, s0;
	s1 =	sshll.u32 s1, $0x11  }
0xba: {  	s0 =	sor.u32 s1, s0  }
0xbb: {  	s0 =	sadd.s32 $0x8F2B, s0  }
0xbc: {  	[sflag:s0] =	ssyncadd.remote.s32 $0x1  }
0xbd: {  	_ =	sfence.sel $0xFFFF  }
0xbe: {  	[dreg:$0x0] =	wrdreg $0xFFFFFFFF;
	(pc) =	sbr.abs _section_cstart, $3  }
0xbf: {  	[dreg:$0x1] =	wrdreg $0xFFFFFFFF  }
0xc0: {  	_ =	task.clear_ibuf [dreg:s6], $0x2FFFF;
	_ =	strace $0x9FFFFFFF  }
0xc1: {  	(tm) =	ssettm $0x7FFFFFFF  }
tec
execute0_lowered:
.L_overlay_start_1:
0x0: {  	(tag) =	ssettag $0x1  }
0x1: {  	s1 =	srdreg.scid  }
0x2: {  	s0 =	stileid.u32;
	s6 =	sand.u32 $0x1, s1  }
0x3: {  	s8 =	rddreg [dreg:$0x0];
	s30 =	sshll.u32 s0, $0xA;
	s2 =	sshll.u32 s6, $0x9  }
0x4: {  	s7 =	simm.s32 $0x1;
	s1 =	rddreg [dreg:$0x1];
	s9 =	sor.u32 s2, s30  }
0x5: {  	s5 =	sadd.s32 $0x18A400, s8;
	s2 =	simm.s32 $0x0;
	s3 =	sshrl.u32 s9, $0x3  }
0x6: {  	s10 =	ssub.s32 $0x2, s6;
	[smem:$0x7FF] =	sst s2;
	s3 =	sadd.s32 s3, s8  }
0x7: {  	_ =	strace $0x80000047;
	s4 =	sadd.s32 $0x3A00, s3;
	s3 =	simm.s32 $0x2  }
0x8: {  	[tilespmem:s2], [sflag:$0x2] =	stream.linear.gather [hbm4b:s4+s2], $0x200, $0x38;
	[tilespmem:$0x8200] =	vst v63  }
0x9: {  	s6 =	simm.s32 $0x200;
	s11 =	sshrl.u32 s10, $0x1;
	_ =	swait.ge [sflag:s3], $0x200  }
0xa: {  	s9 =	sshll.u32 s9, $0x3;
	s31 =	ssub.s32 s10, s11;
	[sflag:s3] =	ssyncset.done $0x0  }
0xb: {  	s8 =	sadd.s32 s9, s8;
	s9 =	smax.u32 s31, $0x1;
	[sflag:s3] =	ssyncadd.s32 $0xFFFFFE00  }
0xc: {  	[tilespmem:s6], [sflag:$0x1] =	stream.indirect.gather [hbm4b:s5+s6], $0x40, s2, s6, $0xb8;
	[tilespmem:$0x8200] =	vst v63  }
0xd: {  	p0 =	sne.s32 s9, $0x1;
	_ =	swait.ge [sflag:s7], $0x8000  }
.Ltmp0:
0xe: {  	[sflag:s7] =	ssyncset.done $0x0;
	(pc) =	sbr.rel @!p0 .LBB2_2-.Ltmp0, $4  }
0xf: {  	s8 =	sadd.s32 $0x4200, s8;
	[sflag:s7] =	ssyncadd.s32 $0xFFFF8000  }
0x10: {  	[hbm4b:s8+s2] =	stream.linear.scatter [tilespmem:s6], [sflag:$0x2], $0x8000, $0x38;
	[tilespmem:$0x8200] =	vst v63  }
0x11: {  	_ =	swait.ge [sflag:s3], $0x8000  }
0x12: {  	s9 =	sadd.s32 $0xFFFFFFFF, s9;
	[sflag:s3] =	ssyncset.done $0x0  }
.LBB2_1:
0x13: {  	p0 =	sne.s32 s9, $0x1;
	s9 =	sadd.s32 $0xFFFFFFFF, s9;
	[sflag:s3] =	ssyncadd.s32 $0xFFFF8000  }
0x14: {  	[tilespmem:s2], [sflag:$0x2] =	stream.linear.gather [hbm4b:s4+s2], $0x200, $0x38;
	[tilespmem:$0x8200] =	vst v63  }
0x15: {  	_ =	swait.ge [sflag:s3], $0x200  }
0x16: {  	[sflag:s3] =	ssyncset.done $0x0  }
0x17: {  	[sflag:s3] =	ssyncadd.s32 $0xFFFFFE00  }
0x18: {  	[tilespmem:s6], [sflag:$0x1] =	stream.indirect.gather [hbm4b:s5+s6], $0x40, s2, s6, $0xb8;
	[tilespmem:$0x8200] =	vst v63  }
0x19: {  	_ =	swait.ge [sflag:s7], $0x8000  }
.Ltmp1:
0x1a: {  	[sflag:s7] =	ssyncset.done $0x0;
	(pc) =	sbr.rel @p0 .LBB2_1-.Ltmp1, $4  }
0x1b: {  	[sflag:s7] =	ssyncadd.s32 $0xFFFF8000  }
0x1c: {  	[hbm4b:s8+s2] =	stream.linear.scatter [tilespmem:s6], [sflag:$0x2], $0x8000, $0x38;
	[tilespmem:$0x8200] =	vst v63  }
0x1d: {  	_ =	swait.ge [sflag:s3], $0x8000  }
0x1e: {  	[sflag:s3] =	ssyncset.done $0x0  }
.LBB2_2:
0x1f: {  	[sflag:s3] =	ssyncadd.s32 $0xFFFF8000  }
0x20: {  	_ =	sfence.sel $0x180000  }
0x21: {  	[bflag:$0x0] =	sbarrier.arrive $0xFFFF  }
0x22: {  	p0 =	sne.s32 s0, $0x0;
	_ =	strace $0x90000047  }
0x23: {  	s0 =	sadd.s32 @!p0 $0x100000, s1;
	[bflag:$0x2] =	sbarrier.arrive $0xFFFF  }
0x24: {  	[sflag:s0] =	ssyncadd.tile.s32 @!p0 $0x1;
	_ =	shalt  }
.Lfunc_end2:
_tile_overlayer_lowered:
.L_overlay_start_2:
0x25: {  	(tag) =	ssettag $0x2  }
0x26: {  	s0 =	rddreg [dreg:$0x0];
	s2 =	stileid.u32  }
0x27: {  	s1 =	rddreg [dreg:$0x1];
	p0 =	sne.s32 s2, $0x0  }
0x28: {  	s3 =	rddreg [dreg:$0x2];
	[bflag:$0x3] =	sbarrier.arrive $0xFFFF;
	s2 =	simm.s32 @!p0 $0x1C02  }
0x29: {  	[timem:s3], [sflag:s2] =	dma.local @!p0 [hbm:s0], s1  }
0x2a: {  	s0 =	simm.s32 @!p0 $0x2  }
0x2b: {  	_ =	swait.ge @!p0 [sflag:s0], s1  }
0x2c: {  	s1 =	ssub.s32 @!p0 $0x0, s1;
	[sflag:s0] =	ssyncset.done @!p0 $0x0  }
0x2d: {  	[sflag:s0] =	ssyncadd.s32 @!p0 s1  }
0x2e: {  	[bflag:$0x3] =	sbarrier.arrive $0xFFFF  }
0x2f: {  	_ =	shalt  }

// kernel: kernel.8.cloned.1.call-start
scs
__scs_entry_jumppad:
0x0: {  	(pc) =	sbr.rel $0x88, $3  }
0x1: {  	(tag) =	ssettag $0x0;
	lr =	simm.s32 $0x1  }
0x2: {  	[smem:$0x3F9A] =	sst lr;
	_ =	strace $0xD0000000  }
0x3: {  	_ = 	snop  }
0x4: {  	_ = 	snop  }
0x5: {  	_ = 	snop  }
0x6: {  	_ = 	snop  }
0x7: {  	_ = 	snop  }
__scs_overlays_trampoline_lowered:
0x8: {  	[smem:$0x3FA9] =	sst s0  }
0x9: {  	[smem:$0x3FAA] =	sst s1  }
0xa: {  	[smem:$0x3FAB] =	sst s2  }
0xb: {  	[smem:$0x3FAC] =	sst s3  }
0xc: {  	[smem:$0x3FAD] =	sst s4  }
0xd: {  	[smem:$0x3FAE] =	sst s5  }
0xe: {  	[smem:$0x3FAF] =	sst s6  }
0xf: {  	[smem:$0x3FB0] =	sst s7  }
0x10: {  	[smem:$0x3FB1] =	sst s8  }
0x11: {  	[smem:$0x3FB2] =	sst s9;
	s0 =	simm.s32 @!p0 $0x0  }
0x12: {  	s1 =	sld [smem:$0x3F98];
	s0 =	simm.s32 @p0 $0x1  }
0x13: {  	[smem:$0x3FB3] =	sst s0;
	s0 =	simm.s32 @!p1 $0x0  }
0x14: {  	s2 =	sld [smem:$0x3F97];
	s0 =	simm.s32 @p1 $0x1  }
0x15: {  	[smem:$0x3FB4] =	sst s0;
	s0 =	simm.s32 @!p2 $0x0  }
0x16: {  	s3 =	sld [smem:$0x3FDB];
	s0 =	simm.s32 @p2 $0x1  }
0x17: {  	s4 =	simm.s32 $0x1BF5;
	[smem:$0x3FB6] =	sst s0  }
0x18: {  	s0 =	sld [smem:$0x3F99];
	_ =	swait.ge [sflag:s4], $0x0  }
0x19: {  	s7 =	sld [smem:$0x3F9A]  }
0x1a: {  	s8 =	sadd.s32 $0xFFFFE003, lr  }
0x1b: {  	s9 =	sadd.s32 $0xFFFFFEF7, lr;
	s5 =	simm.s32 $0xFFFFFFFF;
	p2 =	slt.u32 s8, $0xFFFFF086  }
0x1c: {  	p1 =	slt.u32 s9, $0xF7A;
	s5 =	simm.s32 @!p2 $0x0  }
0x1d: {  	s5 =	simm.s32 @p1 $0x1;
	p0 =	seq.s32 s7, s2  }
0x1e: {  	s7 =	smul.u32 @!p0 $0xF7A, s2;
	p2 =	seq.s32 @!p0 s5, $0x0  }
0x1f: {  	s9 =	smul.u32 $0xF7A, s1;
	s8 =	simm.s32 @!p0 $0x1BF5;
	p2 =	por !p2, p0  }
0x20: {  	[sflag:s8] =	ssyncset.s32 @!p0 $0xFFFFF086;
	s6 =	sadd.s32 @!p0 s3, s7;
	s7 =	simm.s32 @!p0 $0x108  }
0x21: {  	s3 =	sadd.s32 s3, s9;
	s6 =	sadd.s32 @!p0 $0x88, s6;
	s7 =	simm.s32 @p2 $0x1082  }
0x22: {  	[simem:s7], [sflag:s8] =	dma.local @!p0 [hbm:s6], $0xF7A  }
0x23: {  	s9 =	sor.u32 $0xD0000000, s2;
	s6 =	simm.s32 $0x108;
	_ =	swait.ge @!p0 [sflag:s8], $0x0  }
0x24: {  	s3 =	sadd.s32 $0x88, s3;
	s6 =	simm.s32 @!p1 $0x1082;
	[sflag:s4] =	ssyncset.s32 $0xFFFFF086  }
0x25: {  	[simem:s6], [sflag:s4] =	dma.local [hbm:s3], $0xF7A  }
0x26: {  	[smem:$0x3F9A] =	sst s1;
	(tag) =	ssettag s2;
	_ =	strace s9  }
0x27: {  	s1 =	sld [smem:$0x3FAA]  }
0x28: {  	s2 =	sld [smem:$0x3FAB]  }
0x29: {  	s4 =	sld [smem:$0x3FAD]  }
0x2a: {  	p0 =	seq.s32 s5, $0x0;
	s5 =	sld [smem:$0x3FAE]  }
0x2b: {  	s6 =	sld [smem:$0x3FAF]  }
0x2c: {  	s7 =	sld [smem:$0x3FB0]  }
0x2d: {  	s3 =	simm.s32 $0x108;
	s8 =	sld [smem:$0x3FB1]  }
0x2e: {  	s3 =	simm.s32 @!p0 $0x1082;
	s9 =	sld [smem:$0x3FB2]  }
0x2f: {  	lr =	sadd.s32 s0, s3;
	s0 =	sld [smem:$0x3FA9]  }
0x30: {  	s3 =	sld [smem:$0x3FAC]  }
0x31: {  	[smem:$0x3FB5] =	sst s10  }
0x32: {  	s10 =	sld [smem:$0x3FB3];
	_ =	sdelay $0x3  }
0x33: {  	p0 =	seq.s32 s10, $0x1;
	s10 =	sld [smem:$0x3FB5];
	_ =	sdelay $0x3  }
0x34: {  	[smem:$0x3FB5] =	sst s10  }
0x35: {  	s10 =	sld [smem:$0x3FB4];
	_ =	sdelay $0x3  }
0x36: {  	p1 =	seq.s32 s10, $0x1;
	s10 =	sld [smem:$0x3FB5];
	_ =	sdelay $0x3  }
0x37: {  	[smem:$0x3FB5] =	sst s10  }
0x38: {  	s10 =	sld [smem:$0x3FB6]  }
0x39: {  	_ = 	snop;
	(pc) =	sbr.ind lr, $3  }
0x3a: {  	_ = 	snop  }
0x3b: {  	_ = 	snop  }
0x3c: {  	p2 =	seq.s32 s10, $0x1;
	s10 =	sld [smem:$0x3FB5]  }
0x3d: {  	_ =	shalt  }
0x3e: {  	_ =	shalt  }
0x3f: {  	_ =	shalt  }
0x40: {  	_ =	shalt  }
0x41: {  	_ =	shalt  }
0x42: {  	_ =	shalt  }
0x43: {  	_ =	shalt  }
0x44: {  	_ =	shalt  }
0x45: {  	_ =	shalt  }
0x46: {  	_ =	shalt  }
0x47: {  	_ =	shalt  }
0x48: {  	_ =	shalt  }
0x49: {  	_ =	shalt  }
0x4a: {  	_ =	shalt  }
0x4b: {  	_ =	shalt  }
0x4c: {  	_ =	shalt  }
0x4d: {  	_ =	shalt  }
0x4e: {  	_ =	shalt  }
0x4f: {  	_ =	shalt  }
0x50: {  	_ =	shalt  }
0x51: {  	_ =	shalt  }
0x52: {  	_ =	shalt  }
0x53: {  	_ =	shalt  }
0x54: {  	_ =	shalt  }
0x55: {  	_ =	shalt  }
0x56: {  	_ =	shalt  }
0x57: {  	_ =	shalt  }
0x58: {  	_ =	shalt  }
0x59: {  	_ =	shalt  }
0x5a: {  	_ =	shalt  }
0x5b: {  	_ =	shalt  }
0x5c: {  	_ =	shalt  }
0x5d: {  	_ =	shalt  }
0x5e: {  	_ =	shalt  }
0x5f: {  	_ =	shalt  }
0x60: {  	_ =	shalt  }
0x61: {  	_ =	shalt  }
0x62: {  	_ =	shalt  }
0x63: {  	_ =	shalt  }
0x64: {  	_ =	shalt  }
0x65: {  	_ =	shalt  }
0x66: {  	_ =	shalt  }
0x67: {  	_ =	shalt  }
0x68: {  	_ =	shalt  }
0x69: {  	_ =	shalt  }
0x6a: {  	_ =	shalt  }
0x6b: {  	_ =	shalt  }
0x6c: {  	_ =	shalt  }
0x6d: {  	_ =	shalt  }
0x6e: {  	_ =	shalt  }
0x6f: {  	_ =	shalt  }
0x70: {  	_ =	shalt  }
0x71: {  	_ =	shalt  }
0x72: {  	_ =	shalt  }
0x73: {  	_ =	shalt  }
0x74: {  	_ =	shalt  }
0x75: {  	_ =	shalt  }
0x76: {  	_ =	shalt  }
0x77: {  	_ =	shalt  }
0x78: {  	_ =	shalt  }
0x79: {  	_ =	shalt  }
0x7a: {  	_ =	shalt  }
0x7b: {  	_ =	shalt  }
0x7c: {  	_ =	shalt  }
0x7d: {  	_ =	shalt  }
0x7e: {  	_ =	shalt  }
0x7f: {  	_ =	shalt  }
0x80: {  	_ =	shalt  }
0x81: {  	_ =	shalt  }
0x82: {  	_ =	shalt  }
0x83: {  	_ =	shalt  }
0x84: {  	_ =	shalt  }
0x85: {  	_ =	shalt  }
0x86: {  	_ =	shalt  }
0x87: {  	_ =	shalt  }
.Lfunc_end0:
.L_simem_size_0:
called_computation.1_lowered:
.L_overlay_start_0:
0x88: {  	s2 =	sld [smem:$0x3FD9]  }
0x89: {  	s3 =	sld [smem:$0x3FFE];
	_ =	sdelay $0x1  }
0x8a: {  	s1 =	srdreg.scid  }
0x8b: {  	s0 =	sand.u32 $0x1, s1  }
0x8c: {  	s17 =	sshll.u32 s0, $0xA;
	s2 =	sadd.s32 s3, s2  }
0x8d: {  	s2 =	sadd.s32 s2, s17  }
0x8e: {  	[smem:$0x3FC1] =	sst s2  }
0x8f: {  	_ = 	snop  }
0x90: {  	s18 =	sld [smem:$0x3FD0];
	(tm) =	ssettm $0x1  }
0x91: {  	s19 =	sld [smem:$0x3FFB];
	_ =	sdelay $0x3  }
0x92: {  	_ =	strace s19  }
0x93: {  	s2 =	sld [smem:$0x3FFC];
	_ =	sdelay $0x3  }
0x94: {  	_ =	strace s2  }
0x95: {  	s2 =	sld [smem:$0x3FFD];
	_ =	sdelay $0x3  }
0x96: {  	_ =	strace s2  }
0x97: {  	_ =	strace $0x8FFFFFFF  }
0x98: {  	s20 =	sld [smem:$0x3FDB];
	_ =	sdelay $0x1  }
0x99: {  	s4 =	simm.s32 $_scs_section_size  }
0x9a: {  	s5 =	simm.s32 $_size__tile_overlayer_lowered;
	s6 =	simm.s32 $_tile_overlayer_lowered  }
0x9b: {  	s7 =	simm.s32 $0x1BFF;
	s21 =	sshll.u32 s6, $0x1;
	s4 =	sadd.s32 s4, s20  }
0x9c: {  	s22 =	simm.s32 $0x0;
	s5 =	sshll.u32 s5, $0x1;
	s6 =	sadd.s32 s21, s4  }
0x9d: {  	[timem:s22], [sflag:s7] =	dma.local [hbm:s6], s5  }
0x9e: {  	_ =	swait.ge [sflag:s7], s5  }
0x9f: {  	s5 =	ssub.s32 $0x0, s5;
	[sflag:s7] =	ssyncset.done $0x0  }
0xa0: {  	[sflag:s7] =	ssyncadd.s32 s5;
	_ =	sdelay $0x1  }
0xa1: {  	s23 =	simm.s32 $0x1B8B  }
0xa2: {  	_ =	swait.ge [sflag:s23], $0x1  }
0xa3: {  	[sflag:s23] =	ssyncset.done $0x0  }
0xa4: {  	[sflag:s23] =	ssyncadd.s32 $0xFFFFFFFF  }
0xa5: {  	s5 =	sld [smem:$0x0]  }
0xa6: {  	s6 =	sand.u32 $0xFFFFFFFE, s1  }
0xa7: {  	p0 =	sne.s32 s1, s6  }
0xa8: {  	s6 =	sshll.u32 @p0 s6, $0xE  }
0xa9: {  	s6 =	sadd.s32 @p0 $0x11B8D, s6;
	s7 =	sshll.u32 @p0 s5, $0x11  }
0xaa: {  	s6 =	sor.u32 @p0 s7, s6  }
0xab: {  	[sflag:s6] =	ssyncadd.remote.s32 @p0 $0x1;
	_ =	sdelay $0x1  }
0xac: {  	s6 =	simm.s32 @p0 $0x1B8D  }
0xad: {  	_ =	swait.eq @p0 [sflag:s6], $0x1  }
0xae: {  	[sflag:s6] =	ssyncadd.s32 @p0 $0xFFFFFFFF  }
0xaf: {  	s7 =	sshll.u32 @!p0 s1, $0xE  }
0xb0: {  	s7 =	sor.u32 @!p0 $0x4000, s7;
	s6 =	simm.s32 @!p0 $0x1B8D  }
0xb1: {  	s5 =	sshll.u32 @!p0 s5, $0x11;
	s7 =	sadd.s32 @!p0 $0x11B8D, s7;
	_ =	swait.eq @!p0 [sflag:s6], $0x1  }
0xb2: {  	s5 =	sor.u32 @!p0 s5, s7;
	[sflag:s6] =	ssyncadd.s32 @!p0 $0xFFFFFFFF  }
0xb3: {  	s25 =	simm.s32 $0x1B8E;
	s24 =	sld [smem:$0x3FFE];
	[sflag:s5] =	ssyncadd.remote.s32 @!p0 $0x1  }
0xb4: {  	s26 =	simm.s32 $execute0_lowered;
	[smem:$0x3FD2] =	sst s25  }
0xb5: {  	s6 =	sshll.u32 s26, $0x1;
	_ =	strace $0x80000049;
	[dreg:$0x1] =	wrdreg $0xFFFFFFFF  }
0xb6: {  	s28 =	simm.s32 $_size_execute0_lowered;
	s4 =	sadd.s32 s4, s6;
	[dreg:$0x0] =	wrdreg $0x0  }
0xb7: {  	s6 =	sshll.u32 s28, $0x1;
	[dreg:$0x2] =	wrdreg s4  }
0xb8: {  	[dreg:$0x3] =	wrdreg s6  }
0xb9: {  	[dreg:$0x4] =	wrdreg $0xC0  }
0xba: {  	_ =	task [dreg:s22], $0x5FFFF  }
0xbb: {  	[dreg:$0x1] =	wrdreg $0xFFFFFFFF  }
0xbc: {  	[dreg:$0x0] =	wrdreg $0x60  }
0xbd: {  	[dreg:$0x2] =	wrdreg s24  }
0xbe: {  	[dreg:$0x3] =	wrdreg s18  }
0xbf: {  	[dreg:$0x4] =	wrdreg $0xA  }
0xc0: {  	_ =	task.clear_ibuf [dreg:s22], $0x5FFFF;
	_ =	strace $0x90000049  }
0xc1: {  	s29 =	simm.s32 $0xA;
	_ =	strace $0x8000004B  }
0xc2: {  	_ =	swait.ge [sflag:s29], $0x1  }
0xc3: {  	[sflag:s29] =	ssyncadd.s32 $0xFFFFFFFF  }
0xc4: {  	_ =	strace $0x9000004B  }
0xc5: {  	_ =	sfence  }
0xc6: {  	s30 =	sld [smem:$0x0];
	_ =	sdelay $0x2  }
0xc7: {  	s31 =	sshll.u32 s1, $0xD;
	s1 =	sshrl.u32 s1, $0x2  }
0xc8: {  	s4 =	sand.u32 $0x4000, s31;
	s1 =	sadd.s32 s1, s30  }
0xc9: {  	s0 =	sor.u32 s4, s0;
	s1 =	sshll.u32 s1, $0x11  }
0xca: {  	s0 =	sor.u32 s1, s0  }
0xcb: {  	s0 =	sadd.s32 $0x8F2B, s0  }
0xcc: {  	[sflag:s0] =	ssyncadd.remote.s32 $0x1  }
0xcd: {  	_ =	sfence.sel $0xFFFF  }
0xce: {  	[dreg:$0x0] =	wrdreg $0xFFFFFFFF;
	(pc) =	sbr.abs _section_cstart, $3  }
0xcf: {  	[dreg:$0x1] =	wrdreg $0xFFFFFFFF  }
0xd0: {  	_ =	task.clear_ibuf [dreg:s22], $0x2FFFF;
	_ =	strace $0x9FFFFFFF  }
0xd1: {  	(tm) =	ssettm $0x7FFFFFFF  }
tec
execute0_lowered:
.L_overlay_start_1:
0x0: {  	(tag) =	ssettag $0x1  }
0x1: {  	s1 =	srdreg.scid  }
0x2: {  	s8 =	rddreg [dreg:$0x0];
	s0 =	stileid.u32  }
0x3: {  	s3 =	rddreg [dreg:$0x1];
	s2 =	simm.s32 $0x0;
	s6 =	sand.u32 $0x1, s1  }
0x4: {  	s4 =	sshll.u32 s0, $0xA;
	s1 =	rddreg [dreg:$0x2];
	s5 =	sshll.u32 s6, $0x9  }
0x5: {  	s7 =	simm.s32 $0x1;
	[smem:$0x7FF] =	sst s2;
	s9 =	sor.u32 s5, s4  }
0x6: {  	_ =	strace $0x8000004A;
	s10 =	ssub.s32 $0x2, s6;
	s4 =	sshrl.u32 s9, $0x3  }
0x7: {  	s6 =	simm.s32 $0x200;
	s4 =	sadd.s32 s3, s4;
	s3 =	simm.s32 $0x2  }
0x8: {  	[tilespmem:s2], [sflag:$0x2] =	stream.linear.gather [hbm4b:s4+s2], $0x200, $0x38;
	[tilespmem:$0x8200] =	vst v63  }
0x9: {  	s5 =	sadd.s32 $0x24200, s8;
	s11 =	sshrl.u32 s10, $0x1;
	_ =	swait.ge [sflag:s3], $0x200  }
0xa: {  	s9 =	sshll.u32 s9, $0x3;
	s31 =	ssub.s32 s10, s11;
	[sflag:s3] =	ssyncset.done $0x0  }
0xb: {  	s8 =	sadd.s32 s9, s8;
	s9 =	smax.u32 s31, $0x1;
	[sflag:s3] =	ssyncadd.s32 $0xFFFFFE00  }
0xc: {  	[tilespmem:s6], [sflag:$0x1] =	stream.indirect.gather [hbm4b:s5+s6], $0x40, s2, s6, $0xb8;
	[tilespmem:$0x8200] =	vst v63  }
0xd: {  	p0 =	sne.s32 s9, $0x1;
	_ =	swait.ge [sflag:s7], $0x8000  }
.Ltmp0:
0xe: {  	[sflag:s7] =	ssyncset.done $0x0;
	(pc) =	sbr.rel @!p0 .LBB2_2-.Ltmp0, $4  }
0xf: {  	s8 =	sadd.s32 $0xE7800, s8;
	[sflag:s7] =	ssyncadd.s32 $0xFFFF8000  }
0x10: {  	[hbm4b:s8+s2] =	stream.linear.scatter [tilespmem:s6], [sflag:$0x2], $0x8000, $0x38;
	[tilespmem:$0x8200] =	vst v63  }
0x11: {  	_ =	swait.ge [sflag:s3], $0x8000  }
0x12: {  	s9 =	sadd.s32 $0xFFFFFFFF, s9;
	[sflag:s3] =	ssyncset.done $0x0  }
.LBB2_1:
0x13: {  	p0 =	sne.s32 s9, $0x1;
	s9 =	sadd.s32 $0xFFFFFFFF, s9;
	[sflag:s3] =	ssyncadd.s32 $0xFFFF8000  }
0x14: {  	[tilespmem:s2], [sflag:$0x2] =	stream.linear.gather [hbm4b:s4+s2], $0x200, $0x38;
	[tilespmem:$0x8200] =	vst v63  }
0x15: {  	_ =	swait.ge [sflag:s3], $0x200  }
0x16: {  	[sflag:s3] =	ssyncset.done $0x0  }
0x17: {  	[sflag:s3] =	ssyncadd.s32 $0xFFFFFE00  }
0x18: {  	[tilespmem:s6], [sflag:$0x1] =	stream.indirect.gather [hbm4b:s5+s6], $0x40, s2, s6, $0xb8;
	[tilespmem:$0x8200] =	vst v63  }
0x19: {  	_ =	swait.ge [sflag:s7], $0x8000  }
.Ltmp1:
0x1a: {  	[sflag:s7] =	ssyncset.done $0x0;
	(pc) =	sbr.rel @p0 .LBB2_1-.Ltmp1, $4  }
0x1b: {  	[sflag:s7] =	ssyncadd.s32 $0xFFFF8000  }
0x1c: {  	[hbm4b:s8+s2] =	stream.linear.scatter [tilespmem:s6], [sflag:$0x2], $0x8000, $0x38;
	[tilespmem:$0x8200] =	vst v63  }
0x1d: {  	_ =	swait.ge [sflag:s3], $0x8000  }
0x1e: {  	[sflag:s3] =	ssyncset.done $0x0  }
.LBB2_2:
0x1f: {  	[sflag:s3] =	ssyncadd.s32 $0xFFFF8000  }
0x20: {  	_ =	sfence.sel $0x180000  }
0x21: {  	[bflag:$0x0] =	sbarrier.arrive $0xFFFF  }
0x22: {  	p0 =	sne.s32 s0, $0x0;
	_ =	strace $0x9000004A  }
0x23: {  	s0 =	sadd.s32 @!p0 $0x100000, s1;
	[bflag:$0x2] =	sbarrier.arrive $0xFFFF  }
0x24: {  	[sflag:s0] =	ssyncadd.tile.s32 @!p0 $0x1;
	_ =	shalt  }
.Lfunc_end2:
_tile_overlayer_lowered:
.L_overlay_start_2:
0x25: {  	(tag) =	ssettag $0x2  }
0x26: {  	s0 =	rddreg [dreg:$0x0];
	s2 =	stileid.u32  }
0x27: {  	s1 =	rddreg [dreg:$0x1];
	p0 =	sne.s32 s2, $0x0  }
0x28: {  	s3 =	rddreg [dreg:$0x2];
	[bflag:$0x3] =	sbarrier.arrive $0xFFFF;
	s2 =	simm.s32 @!p0 $0x1C02  }
0x29: {  	[timem:s3], [sflag:s2] =	dma.local @!p0 [hbm:s0], s1  }
0x2a: {  	s0 =	simm.s32 @!p0 $0x2  }
0x2b: {  	_ =	swait.ge @!p0 [sflag:s0], s1  }
0x2c: {  	s1 =	ssub.s32 @!p0 $0x0, s1;
	[sflag:s0] =	ssyncset.done @!p0 $0x0  }
0x2d: {  	[sflag:s0] =	ssyncadd.s32 @!p0 s1  }
0x2e: {  	[bflag:$0x3] =	sbarrier.arrive $0xFFFF  }
0x2f: {  	_ =	shalt  }

</sc_bundles>
